<compile_context>
chip_gen: v7x
topology: tpu7x:2x2x1
jax: 0.10.2.dev20260603
libtpu: 0.0.44.dev20260713+nightly
codegen_flags: <defaults>
</compile_context>

<pallas_src>
import jax
import jax.numpy as jnp
from jax import lax
from jax.experimental import pallas as pl
from jax.experimental.pallas import tpu as pltpu
from jax.experimental.pallas import tpu_sc as plsc

B = 16
S = 2048
LANES = 16
START_VALUE = 101
END_VALUE = 102
PAD_VALUE = 0
BUDGET = S - 3


def _body(seq_a, seq_b, len_a, len_b, tok_out, seg_out,
          src_v, lena_v, lenb_v, tok_v, seg_v, sem_seq, sem_len, sem_out):
    row = lax.axis_index("s")

    cpy_a = pltpu.async_copy(seq_a.at[row], src_v.at[pl.ds(0, S)], sem_seq)
    cpy_b = pltpu.async_copy(seq_b.at[row], src_v.at[pl.ds(S, S)], sem_seq)
    cpy_la = pltpu.async_copy(len_a, lena_v, sem_len)
    cpy_lb = pltpu.async_copy(len_b, lenb_v, sem_len)
    cpy_la.wait()
    cpy_lb.wait()

    rowv = jnp.full((LANES,), row, jnp.int32)
    l1 = jnp.minimum(plsc.load_gather(lena_v, [rowv]), S)
    l2 = jnp.minimum(plsc.load_gather(lenb_v, [rowv]), S)
    a1 = jnp.minimum(l1, jnp.maximum((BUDGET + 1) // 2, BUDGET - l2))
    a2 = jnp.minimum(l2, jnp.maximum(BUDGET // 2, BUDGET - l1))
    e1 = 1 + a1
    s2 = 2 + a1
    e2 = s2 + a2
    s2m = s2 - S

    iota = lax.iota(jnp.int32, 16)
    zeros = jnp.zeros((LANES,), jnp.int32)
    ones = jnp.full((LANES,), 1, jnp.int32)

    cpy_a.wait()
    cpy_b.wait()

    @plsc.parallel_loop(0, S // LANES, unroll=4)
    def _loop(i):
        pos = iota + i * LANES
        m2 = pos >= s2
        idx = jnp.where(m2, pos - s2m, pos - 1)
        g = plsc.load_gather(src_v, [jnp.maximum(idx, zeros)])
        gt2 = pos > e2
        tok = jnp.where(gt2, zeros, g)
        seg = jnp.where(m2 & jnp.logical_not(gt2), ones, zeros)
        tok_v[pl.ds(i * LANES, LANES)] = tok
        seg_v[pl.ds(i * LANES, LANES)] = seg

    cand = jnp.where(iota == 0, zeros, jnp.where(iota == 1, e1, e2))
    val = jnp.where(iota == 0, jnp.full((LANES,), START_VALUE, jnp.int32),
                    jnp.full((LANES,), END_VALUE, jnp.int32))
    mask = iota < 3
    plsc.store_scatter(tok_v, [jnp.clip(cand, 0, S - 1)], val, mask=mask)

    out_a = pltpu.async_copy(tok_v, tok_out.at[row], sem_out)
    out_b = pltpu.async_copy(seg_v, seg_out.at[row], sem_out)
    out_a.wait()
    out_b.wait()


@jax.jit
def kernel(seq_a, seq_b, len_a, len_b):
    mesh = plsc.VectorSubcoreMesh(core_axis_name="c", subcore_axis_name="s",
                                  num_cores=1, num_subcores=16)
    out_type = (jax.ShapeDtypeStruct((B, S), jnp.int32),
                jax.ShapeDtypeStruct((B, S), jnp.int32))
    scratch = [
        pltpu.VMEM((2 * S,), jnp.int32),
        pltpu.VMEM((B,), jnp.int32),
        pltpu.VMEM((B,), jnp.int32),
        pltpu.VMEM((S,), jnp.int32),
        pltpu.VMEM((S,), jnp.int32),
        pltpu.SemaphoreType.DMA,
        pltpu.SemaphoreType.DMA,
        pltpu.SemaphoreType.DMA,
    ]
    f = pl.kernel(_body, out_type=out_type, mesh=mesh, scratch_types=scratch,
                  compiler_params=pltpu.CompilerParams(needs_layout_passes=False))
    tok, seg = f(seq_a.astype(jnp.int32), seq_b.astype(jnp.int32),
                 len_a.astype(jnp.int32), len_b.astype(jnp.int32))
    return tok, seg

# --- scband reference (transcript-rebuilt; emitter-appended) ---
"""Pipeline reference for scband-multi-segment-packer-8873402433760 (READ-ONLY COPY).

The authoritative reference and input builder live on the scoring server;
editing this copy changes nothing except your own understanding.
"""

import jax, jax.numpy as jnp
import numpy as np

SEQ_LEN = 2048
START_VALUE = 101
END_VALUE = 102
PAD_VALUE = 0


def setup_inputs(seed: int = 0) -> dict:
    key = jax.random.key(seed)
    k1, k2, k3, k4 = jax.random.split(key, 4)
    B, L = 16, 2048
    seq_a = jax.random.randint(k1, (B, L), 0, 30000, dtype=jnp.int32)
    seq_b = jax.random.randint(k2, (B, L), 0, 30000, dtype=jnp.int32)
    len_a = jax.random.randint(k3, (B,), 0, 2048, dtype=jnp.int32)
    len_b = jax.random.randint(k4, (B,), 0, 2048, dtype=jnp.int32)
    return {"seq_a": seq_a, "seq_b": seq_b, "len_a": len_a, "len_b": len_b}


def reference(seq_a, seq_b, len_a, len_b):
    """JAX port of keras_nlp MultiSegmentPacker with 2 segments and
    round_robin truncation. Ragged inputs are encoded as dense [B, L]
    buffers with per-row valid lengths.

    Output layout per row:
      [START] seg_a[:a1] [END] seg_b[:a2] [END] PAD...  (width SEQ_LEN)
    Segment ids: 0 for start + seg_a + its END, 1 for seg_b + its END,
    0 for padding.
    """
    B = seq_a.shape[0]
    S = SEQ_LEN
    num_special = 3  # 1 start + 2 ends (2 segments)
    budget = S - num_special

    l1 = jnp.minimum(len_a, seq_a.shape[1]).astype(jnp.int32)
    l2 = jnp.minimum(len_b, seq_b.shape[1]).astype(jnp.int32)

    # Round-robin trimming for 2 segments (closed form).
    # Segment 0 is served first, so it gets ceil(budget/2) when both
    # segments exceed their quota; leftover quota flows to the other segment.
    h1 = (budget + 1) // 2
    h2 = budget // 2
    a1 = jnp.minimum(l1, jnp.maximum(h1, budget - l2))
    a2 = jnp.minimum(l2, jnp.maximum(h2, budget - l1))

    pos = jnp.arange(S, dtype=jnp.int32)[None, :]  # [1, S]
    a1b = a1[:, None]
    a2b = a2[:, None]

    # Gather candidate tokens for every output position (clipped indices).
    idx1 = jnp.clip(pos - 1, 0, seq_a.shape[1] - 1)
    g1 = jnp.take_along_axis(seq_a, jnp.broadcast_to(idx1, (B, S)), axis=1)
    idx2 = jnp.clip(pos - 2 - a1b, 0, seq_b.shape[1] - 1)
    g2 = jnp.take_along_axis(seq_b, idx2, axis=1)

    is_start = pos == 0
    in_seg1 = (pos >= 1) & (pos < 1 + a1b)
    is_end1 = pos == 1 + a1b
    in_seg2 = (pos >= 2 + a1b) & (pos < 2 + a1b + a2b)
    is_end2 = pos == 2 + a1b + a2b

    tok = jnp.full((B, S), PAD_VALUE, dtype=seq_a.dtype)
    tok = jnp.where(jnp.broadcast_to(is_start, (B, S)), jnp.asarray(START_VALUE, seq_a.dtype), tok)
    tok = jnp.where(in_seg1, g1, tok)
    tok = jnp.where(is_end1, jnp.asarray(END_VALUE, seq_a.dtype), tok)
    tok = jnp.where(in_seg2, g2, tok)
    tok = jnp.where(is_end2, jnp.asarray(END_VALUE, seq_a.dtype), tok)

    seg = jnp.where(in_seg2 | is_end2, 1, 0).astype(jnp.int32)
    seg = jnp.broadcast_to(seg, (B, S))

    return tok, seg


if False:  # reference __main__ guard neutralized (emitter)
    out = reference(**setup_inputs())
    print(out[0].shape, out[1].shape)

if __name__ == "__main__":
    import jax
    _d = setup_inputs()
    print(jax.jit(kernel)(*tuple(_d.values())))

</pallas_src>

<mosaic_0001>
#map = affine_map<(d0, d1) -> (0, 0)>
#map1 = affine_map<(d0, d1) -> (0)>
module attributes {stable_mosaic.version = 14 : i64} {
  func.func @_body(%arg0: i32, %arg1: i32, %arg2: memref<16x2048xi32, #tpu.memory_space<hbm>>, %arg3: memref<16x2048xi32, #tpu.memory_space<hbm>>, %arg4: memref<16xi32, #tpu.memory_space<hbm>>, %arg5: memref<16xi32, #tpu.memory_space<hbm>>, %arg6: memref<16x2048xi32, #tpu.memory_space<hbm>>, %arg7: memref<16x2048xi32, #tpu.memory_space<hbm>>, %arg8: memref<4096xi32, #tpu.memory_space<vmem>>, %arg9: memref<16xi32, #tpu.memory_space<vmem>>, %arg10: memref<16xi32, #tpu.memory_space<vmem>>, %arg11: memref<2048xi32, #tpu.memory_space<vmem>>, %arg12: memref<2048xi32, #tpu.memory_space<vmem>>, %arg13: memref<!tpu.dma_semaphore, #tpu.memory_space<semaphore_mem>>, %arg14: memref<!tpu.dma_semaphore, #tpu.memory_space<semaphore_mem>>, %arg15: memref<!tpu.dma_semaphore, #tpu.memory_space<semaphore_mem>>) attributes {dimension_semantics = [#tpu.dimension_semantics<core_parallel>, #tpu.dimension_semantics<subcore_parallel>], iteration_bounds = array<i64: 1, 16>, scalar_prefetch = 0 : i64, scratch_operands = 8 : i64, tpu.core_type = #tpu.core_type<sc_vector_subcore>, window_params = [{transform_indices = #map}, {transform_indices = #map}, {transform_indices = #map1}, {transform_indices = #map1}, {transform_indices = #map}, {transform_indices = #map}]} {
    %dma_start3A = arith.constant 0 : i32
    %dma_start3A_0 = tpu.memref_slice %arg8[%dma_start3A] : memref<4096xi32, #tpu.memory_space<vmem>> -> memref<2048xi32, #tpu.memory_space<vmem>>
    %dma_start3A_1 = arith.constant 0 : i32
    %dma_start3A_2 = tpu.memref_slice %arg2[%arg1, %dma_start3A_1] : memref<16x2048xi32, #tpu.memory_space<hbm>> -> memref<1x2048xi32, #tpu.memory_space<hbm>>
    %dma_start3A_3 = tpu.memref_squeeze %dma_start3A_2 : memref<1x2048xi32, #tpu.memory_space<hbm>> -> memref<2048xi32, #tpu.memory_space<hbm>>
    %dma_start3A_4 = arith.constant 0 : i32
    %dma_start3A_5 = tpu.memref_slice %arg8[%dma_start3A_4] : memref<4096xi32, #tpu.memory_space<vmem>> -> memref<2048xi32, #tpu.memory_space<vmem>>
    %dma_start3A_6 = arith.constant 0 : i32
    %dma_start3A_7 = tpu.memref_slice %arg2[%arg1, %dma_start3A_6] : memref<16x2048xi32, #tpu.memory_space<hbm>> -> memref<1x2048xi32, #tpu.memory_space<hbm>>
    %dma_start3A_8 = tpu.memref_squeeze %dma_start3A_7 : memref<1x2048xi32, #tpu.memory_space<hbm>> -> memref<2048xi32, #tpu.memory_space<hbm>>
    tpu.enqueue_dma source(%dma_start3A_8 : memref<2048xi32, #tpu.memory_space<hbm>>) target(%dma_start3A_5 : memref<2048xi32, #tpu.memory_space<vmem>>) target_semaphore(%arg13 : memref<!tpu.dma_semaphore, #tpu.memory_space<semaphore_mem>>)
    %dma_start3A_9 = arith.constant 2048 : i32
    %dma_start3A_10 = tpu.memref_slice %arg8[%dma_start3A_9] : memref<4096xi32, #tpu.memory_space<vmem>> -> memref<2048xi32, #tpu.memory_space<vmem>>
    %dma_start3A_11 = arith.constant 0 : i32
    %dma_start3A_12 = tpu.memref_slice %arg3[%arg1, %dma_start3A_11] : memref<16x2048xi32, #tpu.memory_space<hbm>> -> memref<1x2048xi32, #tpu.memory_space<hbm>>
    %dma_start3A_13 = tpu.memref_squeeze %dma_start3A_12 : memref<1x2048xi32, #tpu.memory_space<hbm>> -> memref<2048xi32, #tpu.memory_space<hbm>>
    %dma_start3A_14 = arith.constant 2048 : i32
    %dma_start3A_15 = tpu.memref_slice %arg8[%dma_start3A_14] : memref<4096xi32, #tpu.memory_space<vmem>> -> memref<2048xi32, #tpu.memory_space<vmem>>
    %dma_start3A_16 = arith.constant 0 : i32
    %dma_start3A_17 = tpu.memref_slice %arg3[%arg1, %dma_start3A_16] : memref<16x2048xi32, #tpu.memory_space<hbm>> -> memref<1x2048xi32, #tpu.memory_space<hbm>>
    %dma_start3A_18 = tpu.memref_squeeze %dma_start3A_17 : memref<1x2048xi32, #tpu.memory_space<hbm>> -> memref<2048xi32, #tpu.memory_space<hbm>>
    tpu.enqueue_dma source(%dma_start3A_18 : memref<2048xi32, #tpu.memory_space<hbm>>) target(%dma_start3A_15 : memref<2048xi32, #tpu.memory_space<vmem>>) target_semaphore(%arg13 : memref<!tpu.dma_semaphore, #tpu.memory_space<semaphore_mem>>)
    tpu.enqueue_dma source(%arg4 : memref<16xi32, #tpu.memory_space<hbm>>) target(%arg9 : memref<16xi32, #tpu.memory_space<vmem>>) target_semaphore(%arg14 : memref<!tpu.dma_semaphore, #tpu.memory_space<semaphore_mem>>)
    tpu.enqueue_dma source(%arg5 : memref<16xi32, #tpu.memory_space<hbm>>) target(%arg10 : memref<16xi32, #tpu.memory_space<vmem>>) target_semaphore(%arg14 : memref<!tpu.dma_semaphore, #tpu.memory_space<semaphore_mem>>)
    tpu.wait_dma2 semaphore(%arg14 : memref<!tpu.dma_semaphore, #tpu.memory_space<semaphore_mem>>) src(%arg4 : memref<16xi32, #tpu.memory_space<hbm>>) dst(%arg9 : memref<16xi32, #tpu.memory_space<vmem>>)
    tpu.wait_dma2 semaphore(%arg14 : memref<!tpu.dma_semaphore, #tpu.memory_space<semaphore_mem>>) src(%arg5 : memref<16xi32, #tpu.memory_space<hbm>>) dst(%arg10 : memref<16xi32, #tpu.memory_space<vmem>>)
    %broadcast_in_dim3A = vector.broadcast %arg1 : i32 to vector<16xi32>
    %gather3A = tpu.vector_load_idx %arg9[%broadcast_in_dim3A] : memref<16xi32, #tpu.memory_space<vmem>>[vector<16xi32>], vector<16xi32>,
    %min3A = arith.constant 2048 : i32
    %min3A_19 = vector.broadcast %min3A : i32 to vector<16xi32>
    %min3A_20 = arith.minsi %gather3A, %min3A_19 : vector<16xi32>
    %gather3A_21 = tpu.vector_load_idx %arg10[%broadcast_in_dim3A] : memref<16xi32, #tpu.memory_space<vmem>>[vector<16xi32>], vector<16xi32>,
    %min3A_22 = arith.constant 2048 : i32
    %min3A_23 = vector.broadcast %min3A_22 : i32 to vector<16xi32>
    %min3A_24 = arith.minsi %gather3A_21, %min3A_23 : vector<16xi32>
    %sub3A = arith.constant 2045 : i32
    %sub3A_25 = vector.broadcast %sub3A : i32 to vector<16xi32>
    %sub3A_26 = arith.subi %sub3A_25, %min3A_24 : vector<16xi32>
    %max3A = arith.constant 1023 : i32
    %max3A_27 = vector.broadcast %max3A : i32 to vector<16xi32>
    %max3A_28 = arith.maxsi %max3A_27, %sub3A_26 : vector<16xi32>
    %min3A_29 = arith.minsi %min3A_20, %max3A_28 : vector<16xi32>
    %sub3A_30 = arith.constant 2045 : i32
    %sub3A_31 = vector.broadcast %sub3A_30 : i32 to vector<16xi32>
    %sub3A_32 = arith.subi %sub3A_31, %min3A_20 : vector<16xi32>
    %max3A_33 = arith.constant 1022 : i32
    %max3A_34 = vector.broadcast %max3A_33 : i32 to vector<16xi32>
    %max3A_35 = arith.maxsi %max3A_34, %sub3A_32 : vector<16xi32>
    %min3A_36 = arith.minsi %min3A_24, %max3A_35 : vector<16xi32>
    %add3A = arith.constant 1 : i32
    %add3A_37 = vector.broadcast %add3A : i32 to vector<16xi32>
    %add3A_38 = arith.addi %add3A_37, %min3A_29 : vector<16xi32>
    %add3A_39 = arith.constant 2 : i32
    %add3A_40 = vector.broadcast %add3A_39 : i32 to vector<16xi32>
    %add3A_41 = arith.addi %add3A_40, %min3A_29 : vector<16xi32>
    %add3A_42 = arith.addi %add3A_41, %min3A_36 : vector<16xi32>
    %sub3A_43 = arith.constant 2048 : i32
    %sub3A_44 = vector.broadcast %sub3A_43 : i32 to vector<16xi32>
    %sub3A_45 = arith.subi %add3A_41, %sub3A_44 : vector<16xi32>
    %iota3A = tpu.iota {dimensions = array<i32: 0>} : vector<16xi32>
    %broadcast_in_dim3A_46 = arith.constant 0 : i32
    %broadcast_in_dim3A_47 = vector.broadcast %broadcast_in_dim3A_46 : i32 to vector<16xi32>
    %broadcast_in_dim3A_48 = arith.constant 1 : i32
    %broadcast_in_dim3A_49 = vector.broadcast %broadcast_in_dim3A_48 : i32 to vector<16xi32>
    %dma_wait3A = arith.constant 0 : i32
    %dma_wait3A_50 = tpu.memref_slice %arg8[%dma_wait3A] : memref<4096xi32, #tpu.memory_space<vmem>> -> memref<2048xi32, #tpu.memory_space<vmem>>
    %dma_wait3A_51 = arith.constant 0 : i32
    %dma_wait3A_52 = tpu.memref_slice %arg2[%arg1, %dma_wait3A_51] : memref<16x2048xi32, #tpu.memory_space<hbm>> -> memref<1x2048xi32, #tpu.memory_space<hbm>>
    %dma_wait3A_53 = tpu.memref_squeeze %dma_wait3A_52 : memref<1x2048xi32, #tpu.memory_space<hbm>> -> memref<2048xi32, #tpu.memory_space<hbm>>
    %dma_wait3A_54 = arith.constant 0 : i32
    %dma_wait3A_55 = tpu.memref_slice %arg8[%dma_wait3A_54] : memref<4096xi32, #tpu.memory_space<vmem>> -> memref<2048xi32, #tpu.memory_space<vmem>>
    %dma_wait3A_56 = arith.constant 0 : i32
    %dma_wait3A_57 = tpu.memref_slice %arg2[%arg1, %dma_wait3A_56] : memref<16x2048xi32, #tpu.memory_space<hbm>> -> memref<1x2048xi32, #tpu.memory_space<hbm>>
    %dma_wait3A_58 = tpu.memref_squeeze %dma_wait3A_57 : memref<1x2048xi32, #tpu.memory_space<hbm>> -> memref<2048xi32, #tpu.memory_space<hbm>>
    tpu.wait_dma2 semaphore(%arg13 : memref<!tpu.dma_semaphore, #tpu.memory_space<semaphore_mem>>) src(%dma_wait3A_58 : memref<2048xi32, #tpu.memory_space<hbm>>) dst(%dma_wait3A_55 : memref<2048xi32, #tpu.memory_space<vmem>>)
    %dma_wait3A_59 = arith.constant 2048 : i32
    %dma_wait3A_60 = tpu.memref_slice %arg8[%dma_wait3A_59] : memref<4096xi32, #tpu.memory_space<vmem>> -> memref<2048xi32, #tpu.memory_space<vmem>>
    %dma_wait3A_61 = arith.constant 0 : i32
    %dma_wait3A_62 = tpu.memref_slice %arg3[%arg1, %dma_wait3A_61] : memref<16x2048xi32, #tpu.memory_space<hbm>> -> memref<1x2048xi32, #tpu.memory_space<hbm>>
    %dma_wait3A_63 = tpu.memref_squeeze %dma_wait3A_62 : memref<1x2048xi32, #tpu.memory_space<hbm>> -> memref<2048xi32, #tpu.memory_space<hbm>>
    %dma_wait3A_64 = arith.constant 2048 : i32
    %dma_wait3A_65 = tpu.memref_slice %arg8[%dma_wait3A_64] : memref<4096xi32, #tpu.memory_space<vmem>> -> memref<2048xi32, #tpu.memory_space<vmem>>
    %dma_wait3A_66 = arith.constant 0 : i32
    %dma_wait3A_67 = tpu.memref_slice %arg3[%arg1, %dma_wait3A_66] : memref<16x2048xi32, #tpu.memory_space<hbm>> -> memref<1x2048xi32, #tpu.memory_space<hbm>>
    %dma_wait3A_68 = tpu.memref_squeeze %dma_wait3A_67 : memref<1x2048xi32, #tpu.memory_space<hbm>> -> memref<2048xi32, #tpu.memory_space<hbm>>
    tpu.wait_dma2 semaphore(%arg13 : memref<!tpu.dma_semaphore, #tpu.memory_space<semaphore_mem>>) src(%dma_wait3A_68 : memref<2048xi32, #tpu.memory_space<hbm>>) dst(%dma_wait3A_65 : memref<2048xi32, #tpu.memory_space<vmem>>)
    %parallel_loop3A = arith.constant 0 : i32
    %parallel_loop3A_69 = arith.constant 128 : i32
    %parallel_loop3A_70 = arith.constant 1 : i32
    scf.for %parallel_loop3A_116 = %parallel_loop3A to %parallel_loop3A_69 step %parallel_loop3A_70  : i32 {
      %parallel_loop3A_117 = arith.constant 16 : i32
      %parallel_loop3A_118 = arith.muli %parallel_loop3A_116, %parallel_loop3A_117 : i32
      %parallel_loop3A_119 = vector.broadcast %parallel_loop3A_118 : i32 to vector<16xi32>
      %parallel_loop3A_120 = arith.addi %iota3A, %parallel_loop3A_119 : vector<16xi32>
      %parallel_loop3A_121 = arith.cmpi sge, %parallel_loop3A_120, %add3A_41 : vector<16xi32>
      %parallel_loop3A_122 = arith.subi %parallel_loop3A_120, %sub3A_45 : vector<16xi32>
      %parallel_loop3A_123 = arith.constant 1 : i32
      %parallel_loop3A_124 = vector.broadcast %parallel_loop3A_123 : i32 to vector<16xi32>
      %parallel_loop3A_125 = arith.subi %parallel_loop3A_120, %parallel_loop3A_124 : vector<16xi32>
      %parallel_loop3A_126 = arith.select %parallel_loop3A_121, %parallel_loop3A_122, %parallel_loop3A_125 : vector<16xi1>, vector<16xi32>
      %parallel_loop3A_127 = arith.maxsi %parallel_loop3A_126, %broadcast_in_dim3A_47 : vector<16xi32>
      %parallel_loop3A_128 = tpu.vector_load_idx %arg8[%parallel_loop3A_127] : memref<4096xi32, #tpu.memory_space<vmem>>[vector<16xi32>], vector<16xi32>,
      %parallel_loop3A_129 = arith.cmpi sgt, %parallel_loop3A_120, %add3A_42 : vector<16xi32>
      %parallel_loop3A_130 = arith.select %parallel_loop3A_129, %broadcast_in_dim3A_47, %parallel_loop3A_128 : vector<16xi1>, vector<16xi32>
      %parallel_loop3A_131 = arith.constant dense<true> : vector<16xi1>
      %parallel_loop3A_132 = arith.xori %parallel_loop3A_129, %parallel_loop3A_131 : vector<16xi1>
      %parallel_loop3A_133 = arith.andi %parallel_loop3A_121, %parallel_loop3A_132 : vector<16xi1>
      %parallel_loop3A_134 = arith.select %parallel_loop3A_133, %broadcast_in_dim3A_49, %broadcast_in_dim3A_47 : vector<16xi1>, vector<16xi32>
      %parallel_loop3A_135 = arith.constant 16 : i32
      %parallel_loop3A_136 = arith.muli %parallel_loop3A_116, %parallel_loop3A_135 : i32
      %parallel_loop3A_137 = arith.index_cast %parallel_loop3A_136 : i32 to index
      %parallel_loop3A_138 = tpu.vector_load %arg11[%parallel_loop3A_137] {strides = array<i32>} : memref<2048xi32, #tpu.memory_space<vmem>>, vector<16xi32>,
      tpu.vector_store %arg11[%parallel_loop3A_137], %parallel_loop3A_130 {strides = array<i32>} : memref<2048xi32, #tpu.memory_space<vmem>>, vector<16xi32>,
      %parallel_loop3A_139 = arith.constant 16 : i32
      %parallel_loop3A_140 = arith.muli %parallel_loop3A_116, %parallel_loop3A_139 : i32
      %parallel_loop3A_141 = arith.index_cast %parallel_loop3A_140 : i32 to index
      %parallel_loop3A_142 = tpu.vector_load %arg12[%parallel_loop3A_141] {strides = array<i32>} : memref<2048xi32, #tpu.memory_space<vmem>>, vector<16xi32>,
      tpu.vector_store %arg12[%parallel_loop3A_141], %parallel_loop3A_134 {strides = array<i32>} : memref<2048xi32, #tpu.memory_space<vmem>>, vector<16xi32>,
    } {sc.loop_unroll_factor = 4 : i64, sc.parallel_access}
    %eq3A = arith.constant 0 : i32
    %eq3A_71 = vector.broadcast %eq3A : i32 to vector<16xi32>
    %eq3A_72 = arith.cmpi eq, %iota3A, %eq3A_71 : vector<16xi32>
    %eq3A_73 = arith.constant 1 : i32
    %eq3A_74 = vector.broadcast %eq3A_73 : i32 to vector<16xi32>
    %eq3A_75 = arith.cmpi eq, %iota3A, %eq3A_74 : vector<16xi32>
    %select_n3A = arith.select %eq3A_75, %add3A_38, %add3A_42 : vector<16xi1>, vector<16xi32>
    %select_n3A_76 = arith.select %eq3A_72, %broadcast_in_dim3A_47, %select_n3A : vector<16xi1>, vector<16xi32>
    %eq3A_77 = arith.constant 0 : i32
    %eq3A_78 = vector.broadcast %eq3A_77 : i32 to vector<16xi32>
    %eq3A_79 = arith.cmpi eq, %iota3A, %eq3A_78 : vector<16xi32>
    %broadcast_in_dim3A_80 = arith.constant 101 : i32
    %broadcast_in_dim3A_81 = vector.broadcast %broadcast_in_dim3A_80 : i32 to vector<16xi32>
    %broadcast_in_dim3A_82 = arith.constant 102 : i32
    %broadcast_in_dim3A_83 = vector.broadcast %broadcast_in_dim3A_82 : i32 to vector<16xi32>
    %select_n3A_84 = arith.select %eq3A_79, %broadcast_in_dim3A_81, %broadcast_in_dim3A_83 : vector<16xi1>, vector<16xi32>
    %lt3A = arith.constant 3 : i32
    %lt3A_85 = vector.broadcast %lt3A : i32 to vector<16xi32>
    %lt3A_86 = arith.cmpi slt, %iota3A, %lt3A_85 : vector<16xi32>
    %jit3A = arith.constant 0 : i32
    %jit3A_87 = arith.constant 2047 : i32
    %max3A_88 = vector.broadcast %jit3A : i32 to vector<16xi32>
    %max3A_89 = arith.maxsi %max3A_88, %select_n3A_76 : vector<16xi32>
    %min3A_90 = vector.broadcast %jit3A_87 : i32 to vector<16xi32>
    %min3A_91 = arith.minsi %min3A_90, %max3A_89 : vector<16xi32>
    tpu.vector_store_idx %arg11[%min3A_91], %select_n3A_84 masked %lt3A_86 : memref<2048xi32, #tpu.memory_space<vmem>>[vector<16xi32>], vector<16xi32>, vector<16xi1>
    %dma_start3A_92 = arith.constant 0 : i32
    %dma_start3A_93 = tpu.memref_slice %arg6[%arg1, %dma_start3A_92] : memref<16x2048xi32, #tpu.memory_space<hbm>> -> memref<1x2048xi32, #tpu.memory_space<hbm>>
    %dma_start3A_94 = tpu.memref_squeeze %dma_start3A_93 : memref<1x2048xi32, #tpu.memory_space<hbm>> -> memref<2048xi32, #tpu.memory_space<hbm>>
    %dma_start3A_95 = arith.constant 0 : i32
    %dma_start3A_96 = tpu.memref_slice %arg6[%arg1, %dma_start3A_95] : memref<16x2048xi32, #tpu.memory_space<hbm>> -> memref<1x2048xi32, #tpu.memory_space<hbm>>
    %dma_start3A_97 = tpu.memref_squeeze %dma_start3A_96 : memref<1x2048xi32, #tpu.memory_space<hbm>> -> memref<2048xi32, #tpu.memory_space<hbm>>
    tpu.enqueue_dma source(%arg11 : memref<2048xi32, #tpu.memory_space<vmem>>) target(%dma_start3A_97 : memref<2048xi32, #tpu.memory_space<hbm>>) target_semaphore(%arg15 : memref<!tpu.dma_semaphore, #tpu.memory_space<semaphore_mem>>)
    %dma_start3A_98 = arith.constant 0 : i32
    %dma_start3A_99 = tpu.memref_slice %arg7[%arg1, %dma_start3A_98] : memref<16x2048xi32, #tpu.memory_space<hbm>> -> memref<1x2048xi32, #tpu.memory_space<hbm>>
    %dma_start3A_100 = tpu.memref_squeeze %dma_start3A_99 : memref<1x2048xi32, #tpu.memory_space<hbm>> -> memref<2048xi32, #tpu.memory_space<hbm>>
    %dma_start3A_101 = arith.constant 0 : i32
    %dma_start3A_102 = tpu.memref_slice %arg7[%arg1, %dma_start3A_101] : memref<16x2048xi32, #tpu.memory_space<hbm>> -> memref<1x2048xi32, #tpu.memory_space<hbm>>
    %dma_start3A_103 = tpu.memref_squeeze %dma_start3A_102 : memref<1x2048xi32, #tpu.memory_space<hbm>> -> memref<2048xi32, #tpu.memory_space<hbm>>
    tpu.enqueue_dma source(%arg12 : memref<2048xi32, #tpu.memory_space<vmem>>) target(%dma_start3A_103 : memref<2048xi32, #tpu.memory_space<hbm>>) target_semaphore(%arg15 : memref<!tpu.dma_semaphore, #tpu.memory_space<semaphore_mem>>)
    %dma_wait3A_104 = arith.constant 0 : i32
    %dma_wait3A_105 = tpu.memref_slice %arg6[%arg1, %dma_wait3A_104] : memref<16x2048xi32, #tpu.memory_space<hbm>> -> memref<1x2048xi32, #tpu.memory_space<hbm>>
    %dma_wait3A_106 = tpu.memref_squeeze %dma_wait3A_105 : memref<1x2048xi32, #tpu.memory_space<hbm>> -> memref<2048xi32, #tpu.memory_space<hbm>>
    %dma_wait3A_107 = arith.constant 0 : i32
    %dma_wait3A_108 = tpu.memref_slice %arg6[%arg1, %dma_wait3A_107] : memref<16x2048xi32, #tpu.memory_space<hbm>> -> memref<1x2048xi32, #tpu.memory_space<hbm>>
    %dma_wait3A_109 = tpu.memref_squeeze %dma_wait3A_108 : memref<1x2048xi32, #tpu.memory_space<hbm>> -> memref<2048xi32, #tpu.memory_space<hbm>>
    tpu.wait_dma2 semaphore(%arg15 : memref<!tpu.dma_semaphore, #tpu.memory_space<semaphore_mem>>) src(%arg11 : memref<2048xi32, #tpu.memory_space<vmem>>) dst(%dma_wait3A_109 : memref<2048xi32, #tpu.memory_space<hbm>>)
    %dma_wait3A_110 = arith.constant 0 : i32
    %dma_wait3A_111 = tpu.memref_slice %arg7[%arg1, %dma_wait3A_110] : memref<16x2048xi32, #tpu.memory_space<hbm>> -> memref<1x2048xi32, #tpu.memory_space<hbm>>
    %dma_wait3A_112 = tpu.memref_squeeze %dma_wait3A_111 : memref<1x2048xi32, #tpu.memory_space<hbm>> -> memref<2048xi32, #tpu.memory_space<hbm>>
    %dma_wait3A_113 = arith.constant 0 : i32
    %dma_wait3A_114 = tpu.memref_slice %arg7[%arg1, %dma_wait3A_113] : memref<16x2048xi32, #tpu.memory_space<hbm>> -> memref<1x2048xi32, #tpu.memory_space<hbm>>
    %dma_wait3A_115 = tpu.memref_squeeze %dma_wait3A_114 : memref<1x2048xi32, #tpu.memory_space<hbm>> -> memref<2048xi32, #tpu.memory_space<hbm>>
    tpu.wait_dma2 semaphore(%arg15 : memref<!tpu.dma_semaphore, #tpu.memory_space<semaphore_mem>>) src(%arg12 : memref<2048xi32, #tpu.memory_space<vmem>>) dst(%dma_wait3A_115 : memref<2048xi32, #tpu.memory_space<hbm>>)
    return
  }
}

</mosaic_0001>

<sc_bundles>
// kernel: kernel.3.cloned.1.call-start
scs
__scs_entry_jumppad:
0x0: {  	(pc) =	sbr.rel $0x88, $3  }
0x1: {  	(tag) =	ssettag $0x0;
	lr =	simm.s32 $0x1  }
0x2: {  	[smem:$0x3F9D] =	sst lr;
	_ =	strace $0xD0000000  }
0x3: {  	_ = 	snop  }
0x4: {  	_ = 	snop  }
0x5: {  	_ = 	snop  }
0x6: {  	_ = 	snop  }
0x7: {  	_ = 	snop  }
__scs_overlays_trampoline_lowered:
0x8: {  	[smem:$0x3FAC] =	sst s0  }
0x9: {  	[smem:$0x3FAD] =	sst s1  }
0xa: {  	[smem:$0x3FAE] =	sst s2  }
0xb: {  	[smem:$0x3FAF] =	sst s3  }
0xc: {  	[smem:$0x3FB0] =	sst s4  }
0xd: {  	[smem:$0x3FB1] =	sst s5  }
0xe: {  	[smem:$0x3FB2] =	sst s6  }
0xf: {  	[smem:$0x3FB3] =	sst s7  }
0x10: {  	[smem:$0x3FB4] =	sst s8  }
0x11: {  	[smem:$0x3FB5] =	sst s9;
	s0 =	simm.s32 @!p0 $0x0  }
0x12: {  	s1 =	sld [smem:$0x3F9B];
	s0 =	simm.s32 @p0 $0x1  }
0x13: {  	[smem:$0x3FB6] =	sst s0;
	s0 =	simm.s32 @!p1 $0x0  }
0x14: {  	s2 =	sld [smem:$0x3F9A];
	s0 =	simm.s32 @p1 $0x1  }
0x15: {  	[smem:$0x3FB7] =	sst s0;
	s0 =	simm.s32 @!p2 $0x0  }
0x16: {  	s3 =	sld [smem:$0x3FDB];
	s0 =	simm.s32 @p2 $0x1  }
0x17: {  	s4 =	simm.s32 $0x1BF5;
	[smem:$0x3FB9] =	sst s0  }
0x18: {  	s0 =	sld [smem:$0x3F9C];
	_ =	swait.ge [sflag:s4], $0x0  }
0x19: {  	s7 =	sld [smem:$0x3F9D]  }
0x1a: {  	s8 =	sadd.s32 $0xFFFFE003, lr  }
0x1b: {  	s9 =	sadd.s32 $0xFFFFFEF7, lr;
	s5 =	simm.s32 $0xFFFFFFFF;
	p2 =	slt.u32 s8, $0xFFFFF086  }
0x1c: {  	p1 =	slt.u32 s9, $0xF7A;
	s5 =	simm.s32 @!p2 $0x0  }
0x1d: {  	s5 =	simm.s32 @p1 $0x1;
	p0 =	seq.s32 s7, s2  }
0x1e: {  	s7 =	smul.u32 @!p0 $0xF7A, s2;
	p2 =	seq.s32 @!p0 s5, $0x0  }
0x1f: {  	s9 =	smul.u32 $0xF7A, s1;
	s8 =	simm.s32 @!p0 $0x1BF5;
	p2 =	por !p2, p0  }
0x20: {  	[sflag:s8] =	ssyncset.s32 @!p0 $0xFFFFF086;
	s6 =	sadd.s32 @!p0 s3, s7;
	s7 =	simm.s32 @!p0 $0x108  }
0x21: {  	s3 =	sadd.s32 s3, s9;
	s6 =	sadd.s32 @!p0 $0x88, s6;
	s7 =	simm.s32 @p2 $0x1082  }
0x22: {  	[simem:s7], [sflag:s8] =	dma.local @!p0 [hbm:s6], $0xF7A  }
0x23: {  	s9 =	sor.u32 $0xD0000000, s2;
	s6 =	simm.s32 $0x108;
	_ =	swait.ge @!p0 [sflag:s8], $0x0  }
0x24: {  	s3 =	sadd.s32 $0x88, s3;
	s6 =	simm.s32 @!p1 $0x1082;
	[sflag:s4] =	ssyncset.s32 $0xFFFFF086  }
0x25: {  	[simem:s6], [sflag:s4] =	dma.local [hbm:s3], $0xF7A  }
0x26: {  	[smem:$0x3F9D] =	sst s1;
	(tag) =	ssettag s2;
	_ =	strace s9  }
0x27: {  	s1 =	sld [smem:$0x3FAD]  }
0x28: {  	s2 =	sld [smem:$0x3FAE]  }
0x29: {  	s4 =	sld [smem:$0x3FB0]  }
0x2a: {  	p0 =	seq.s32 s5, $0x0;
	s5 =	sld [smem:$0x3FB1]  }
0x2b: {  	s6 =	sld [smem:$0x3FB2]  }
0x2c: {  	s7 =	sld [smem:$0x3FB3]  }
0x2d: {  	s3 =	simm.s32 $0x108;
	s8 =	sld [smem:$0x3FB4]  }
0x2e: {  	s3 =	simm.s32 @!p0 $0x1082;
	s9 =	sld [smem:$0x3FB5]  }
0x2f: {  	lr =	sadd.s32 s0, s3;
	s0 =	sld [smem:$0x3FAC]  }
0x30: {  	s3 =	sld [smem:$0x3FAF]  }
0x31: {  	[smem:$0x3FB8] =	sst s10  }
0x32: {  	s10 =	sld [smem:$0x3FB6];
	_ =	sdelay $0x3  }
0x33: {  	p0 =	seq.s32 s10, $0x1;
	s10 =	sld [smem:$0x3FB8];
	_ =	sdelay $0x3  }
0x34: {  	[smem:$0x3FB8] =	sst s10  }
0x35: {  	s10 =	sld [smem:$0x3FB7];
	_ =	sdelay $0x3  }
0x36: {  	p1 =	seq.s32 s10, $0x1;
	s10 =	sld [smem:$0x3FB8];
	_ =	sdelay $0x3  }
0x37: {  	[smem:$0x3FB8] =	sst s10  }
0x38: {  	s10 =	sld [smem:$0x3FB9]  }
0x39: {  	_ = 	snop;
	(pc) =	sbr.ind lr, $3  }
0x3a: {  	_ = 	snop  }
0x3b: {  	_ = 	snop  }
0x3c: {  	p2 =	seq.s32 s10, $0x1;
	s10 =	sld [smem:$0x3FB8]  }
0x3d: {  	_ =	shalt  }
0x3e: {  	_ =	shalt  }
0x3f: {  	_ =	shalt  }
0x40: {  	_ =	shalt  }
0x41: {  	_ =	shalt  }
0x42: {  	_ =	shalt  }
0x43: {  	_ =	shalt  }
0x44: {  	_ =	shalt  }
0x45: {  	_ =	shalt  }
0x46: {  	_ =	shalt  }
0x47: {  	_ =	shalt  }
0x48: {  	_ =	shalt  }
0x49: {  	_ =	shalt  }
0x4a: {  	_ =	shalt  }
0x4b: {  	_ =	shalt  }
0x4c: {  	_ =	shalt  }
0x4d: {  	_ =	shalt  }
0x4e: {  	_ =	shalt  }
0x4f: {  	_ =	shalt  }
0x50: {  	_ =	shalt  }
0x51: {  	_ =	shalt  }
0x52: {  	_ =	shalt  }
0x53: {  	_ =	shalt  }
0x54: {  	_ =	shalt  }
0x55: {  	_ =	shalt  }
0x56: {  	_ =	shalt  }
0x57: {  	_ =	shalt  }
0x58: {  	_ =	shalt  }
0x59: {  	_ =	shalt  }
0x5a: {  	_ =	shalt  }
0x5b: {  	_ =	shalt  }
0x5c: {  	_ =	shalt  }
0x5d: {  	_ =	shalt  }
0x5e: {  	_ =	shalt  }
0x5f: {  	_ =	shalt  }
0x60: {  	_ =	shalt  }
0x61: {  	_ =	shalt  }
0x62: {  	_ =	shalt  }
0x63: {  	_ =	shalt  }
0x64: {  	_ =	shalt  }
0x65: {  	_ =	shalt  }
0x66: {  	_ =	shalt  }
0x67: {  	_ =	shalt  }
0x68: {  	_ =	shalt  }
0x69: {  	_ =	shalt  }
0x6a: {  	_ =	shalt  }
0x6b: {  	_ =	shalt  }
0x6c: {  	_ =	shalt  }
0x6d: {  	_ =	shalt  }
0x6e: {  	_ =	shalt  }
0x6f: {  	_ =	shalt  }
0x70: {  	_ =	shalt  }
0x71: {  	_ =	shalt  }
0x72: {  	_ =	shalt  }
0x73: {  	_ =	shalt  }
0x74: {  	_ =	shalt  }
0x75: {  	_ =	shalt  }
0x76: {  	_ =	shalt  }
0x77: {  	_ =	shalt  }
0x78: {  	_ =	shalt  }
0x79: {  	_ =	shalt  }
0x7a: {  	_ =	shalt  }
0x7b: {  	_ =	shalt  }
0x7c: {  	_ =	shalt  }
0x7d: {  	_ =	shalt  }
0x7e: {  	_ =	shalt  }
0x7f: {  	_ =	shalt  }
0x80: {  	_ =	shalt  }
0x81: {  	_ =	shalt  }
0x82: {  	_ =	shalt  }
0x83: {  	_ =	shalt  }
0x84: {  	_ =	shalt  }
0x85: {  	_ =	shalt  }
0x86: {  	_ =	shalt  }
0x87: {  	_ =	shalt  }
.Lfunc_end0:
.L_simem_size_0:
called_computation_lowered:
.L_overlay_start_0:
0x88: {  	s0 =	sld [smem:$0x3FD9]  }
0x89: {  	s1 =	sld [smem:$0x3FFE];
	_ =	sdelay $0x3  }
0x8a: {  	s0 =	sadd.s32 s1, s0  }
0x8b: {  	[smem:$0x3FC4] =	sst s0  }
0x8c: {  	_ = 	snop  }
0x8d: {  	s0 =	sld [smem:$0x3FC9]  }
0x8e: {  	s14 =	sld [smem:$0x3FD0]  }
0x8f: {  	s2 =	sld [smem:$0x3FC8]  }
0x90: {  	s3 =	sld [smem:$0x3FC7]  }
0x91: {  	s5 =	simm.s32 $0xA;
	s6 =	simm.s32 $0x10;
	s4 =	sld [smem:$0x3FC6]  }
0x92: {  	[smem:s6], [sflag:s5] =	dma.local [hbm:s14], $0x1  }
0x93: {  	_ =	swait.eq [sflag:s5], $0x1  }
0x94: {  	[sflag:s5] =	ssyncset.done $0x0  }
0x95: {  	s15 =	sld [smem:$0x10];
	[sflag:s5] =	ssyncadd.s32 $0xFFFFFFFF  }
0x96: {  	s16 =	sld [smem:$0x11];
	(tm) =	ssettm $0x1  }
0x97: {  	s17 =	sld [smem:$0x3FFB];
	_ =	sdelay $0x3  }
0x98: {  	_ =	strace s17  }
0x99: {  	s6 =	sld [smem:$0x3FFC];
	_ =	sdelay $0x3  }
0x9a: {  	_ =	strace s6  }
0x9b: {  	s6 =	sld [smem:$0x3FFD];
	_ =	sdelay $0x3  }
0x9c: {  	_ =	strace s6  }
0x9d: {  	_ =	strace $0x8FFFFFFF  }
0x9e: {  	s18 =	sld [smem:$0x3FDB];
	_ =	sdelay $0x1  }
0x9f: {  	s7 =	simm.s32 $_scs_section_size  }
0xa0: {  	s8 =	simm.s32 $_size__tile_overlayer_lowered;
	s9 =	simm.s32 $_tile_overlayer_lowered  }
0xa1: {  	s21 =	simm.s32 $0x1BFF;
	s20 =	sshll.u32 s9, $0x1;
	s6 =	sadd.s32 s7, s18  }
0xa2: {  	s10 =	simm.s32 $0x0;
	s19 =	sshll.u32 s8, $0x1;
	s8 =	sadd.s32 s20, s6  }
0xa3: {  	[timem:s10], [sflag:s21] =	dma.local [hbm:s8], s19  }
0xa4: {  	_ =	swait.ge [sflag:s21], s19  }
0xa5: {  	s7 =	ssub.s32 $0x0, s19;
	[sflag:s21] =	ssyncset.done $0x0  }
0xa6: {  	[sflag:s21] =	ssyncadd.s32 s7;
	_ =	sdelay $0x1  }
0xa7: {  	s22 =	simm.s32 $0x1B8B  }
0xa8: {  	_ =	swait.ge [sflag:s22], $0x1  }
0xa9: {  	[sflag:s22] =	ssyncset.done $0x0  }
0xaa: {  	s23 =	simm.s32 $0x1B8E;
	[sflag:s22] =	ssyncadd.s32 $0xFFFFFFFF  }
0xab: {  	s24 =	simm.s32 $execute0_lowered;
	[smem:$0x3FD2] =	sst s23  }
0xac: {  	s7 =	sshll.u32 s24, $0x1;
	_ =	strace $0x80000046;
	[dreg:$0x1] =	wrdreg $0xFFFFFFFF  }
0xad: {  	s25 =	simm.s32 $_size_execute0_lowered;
	s6 =	sadd.s32 s6, s7;
	[dreg:$0x0] =	wrdreg $0x0  }
0xae: {  	s7 =	sshll.u32 s25, $0x1;
	[dreg:$0x2] =	wrdreg s6  }
0xaf: {  	[dreg:$0x3] =	wrdreg s7  }
0xb0: {  	[dreg:$0x4] =	wrdreg $0xC0  }
0xb1: {  	_ =	task [dreg:s10], $0x5FFFF  }
0xb2: {  	[dreg:$0x1] =	wrdreg $0xFFFFFFFF  }
0xb3: {  	[dreg:$0x0] =	wrdreg $0x60  }
0xb4: {  	[dreg:$0x2] =	wrdreg s0  }
0xb5: {  	[dreg:$0x3] =	wrdreg s2  }
0xb6: {  	[dreg:$0x4] =	wrdreg s3  }
0xb7: {  	[dreg:$0x5] =	wrdreg s4  }
0xb8: {  	[dreg:$0x6] =	wrdreg s15  }
0xb9: {  	[dreg:$0x7] =	wrdreg s16  }
0xba: {  	[dreg:$0x8] =	wrdreg $0x9  }
0xbb: {  	_ =	task.clear_ibuf [dreg:s10], $0x9FFFF;
	_ =	strace $0x90000046  }
0xbc: {  	s26 =	simm.s32 $0x9;
	_ =	strace $0x80000048  }
0xbd: {  	_ =	swait.ge [sflag:s26], $0x1  }
0xbe: {  	[sflag:s26] =	ssyncadd.s32 $0xFFFFFFFF  }
0xbf: {  	_ =	strace $0x90000048  }
0xc0: {  	_ =	sfence  }
0xc1: {  	s28 =	sld [smem:$0x0];
	_ =	sdelay $0x1  }
0xc2: {  	s29 =	srdreg.scid  }
0xc3: {  	s30 =	sshll.u32 s29, $0xD;
	s31 =	sshrl.u32 s29, $0x2  }
0xc4: {  	s1 =	sand.u32 $0x1, s29;
	s2 =	sand.u32 $0x4000, s30;
	s0 =	sadd.s32 s31, s28  }
0xc5: {  	s1 =	sor.u32 s2, s1;
	s0 =	sshll.u32 s0, $0x11  }
0xc6: {  	s0 =	sor.u32 s0, s1  }
0xc7: {  	s0 =	sadd.s32 $0x8F2B, s0  }
0xc8: {  	[sflag:s0] =	ssyncadd.remote.s32 $0x1  }
0xc9: {  	_ =	sfence.sel $0xFFFF  }
0xca: {  	[dreg:$0x0] =	wrdreg $0xFFFFFFFF;
	(pc) =	sbr.abs _section_cstart, $3  }
0xcb: {  	[dreg:$0x1] =	wrdreg $0xFFFFFFFF  }
0xcc: {  	_ =	task.clear_ibuf [dreg:s10], $0x2FFFF;
	_ =	strace $0x9FFFFFFF  }
0xcd: {  	(tm) =	ssettm $0x7FFFFFFF  }
tec
execute0_lowered:
.L_overlay_start_1:
0x0: {  	(tag) =	ssettag $0x1  }
0x1: {  	s6 =	rddreg [dreg:$0x0]  }
0x2: {  	s7 =	rddreg [dreg:$0x1]  }
0x3: {  	s8 =	rddreg [dreg:$0x2]  }
0x4: {  	s9 =	rddreg [dreg:$0x3]  }
0x5: {  	s3 =	rddreg [dreg:$0x4];
	s1 =	stileid.u32  }
0x6: {  	s2 =	rddreg [dreg:$0x5];
	s4 =	sshll.u32 s1, $0x8;
	s10 =	sshll.u32 s1, $0x4  }
0x7: {  	s0 =	rddreg [dreg:$0x6];
	s5 =	simm.s32 $0x0;
	s4 =	sor.u32 s10, s4  }
0x8: {  	s17 =	simm.s32 $0x80;
	[smem:$0x7FF] =	sst s5;
	s4 =	sand.u32 $0x870, s4  }
0x9: {  	s11 =	simm.s32 $0x400;
	_ =	strace $0x80000047;
	s6 =	sadd.s32 s6, s4  }
0xa: {  	[tilespmem:s5], [sflag:$0x1] =	stream.strided.gather [hbm4b:s6+s17], $0x800, s11, s17, $0x38;
	[tilespmem:$0x2100] =	vst v63  }
0xb: {  	s19 =	simm.s32 $0x800;
	s18 =	sadd.s32 s7, s4  }
0xc: {  	[tilespmem:s19], [sflag:$0x1] =	stream.strided.gather [hbm4b:s18+s17], $0x800, s11, s17, $0x38;
	[tilespmem:$0x2100] =	vst v63  }
0xd: {  	s20 =	simm.s32 $0x1000  }
0xe: {  	[tilespmem:s20], [sflag:$0x2] =	stream.linear.gather [hbm4b:s8+s5], $0x80, $0x38;
	[tilespmem:$0x2100] =	vst v63  }
0xf: {  	s21 =	simm.s32 $0x1080;
	s22 =	simm.s32 $0x2  }
0x10: {  	[tilespmem:s21], [sflag:$0x2] =	stream.linear.gather [hbm4b:s9+s5], $0x80, $0x38;
	[tilespmem:$0x2100] =	vst v63  }
0x11: {  	_ =	swait.ge [sflag:s22], $0x80  }
0x12: {  	v0 =	vmov s1;
	[sflag:s22] =	ssyncset.done $0x0  }
0x13: {  	[sflag:s22] =	ssyncadd.s32 $0xFFFFFF80  }
0x14: {  	_ =	swait.ge [sflag:s22], $0x80  }
0x15: {  	[sflag:s22] =	ssyncset.done $0x0  }
0x16: {  	[sflag:s22] =	ssyncadd.s32 $0xFFFFFF80  }
0x17: {  	v1 =	vld.idx.msk [tilespmem:v0+s21+$0x0], $0xffff  }
0x18: {  	v0 =	vld.idx.msk [tilespmem:v0+s20+$0x0], $0xffff;
	_ =	sdelay $0x1  }
0x19: {  	v4 =	vlaneseq.u32  }
0x1a: {  	s23 =	simm.s32 $0x10;
	v6 =	vadd.s32 $0xFFFFFFFF, v4  }
0x1b: {  	s24 =	simm.s32 $0x30;
	v7 =	vor.u32 s5, v4;
	v8 =	vor.u32 s23, v4;
	vm0 =	vlt.s32 v1, $0x800  }
0x1c: {  	s31 =	simm.s32 $0x60;
	v9 =	vor.u32 s24, v4;
	vm1 =	vlt.s32 v0, $0x800;
	v1 =	vnsel vm0, $0x800, v1  }
0x1d: {  	v19 =	vor.u32 s31, v4;
	v0 =	vnsel vm1, $0x800, v0;
	v2 =	vsub.s32 $0x7FD, v1  }
0x1e: {  	v10 =	vadd.s32 s24, v6;
	v3 =	vsub.s32 $0x7FD, v0;
	vm0 =	vgt.s32 v2, $0x3FF  }
0x1f: {  	v12 =	vadd.s32 s5, v6;
	v2 =	vnsel vm0, $0x3FF, v2;
	vm0 =	vgt.s32 v3, $0x3FE  }
0x20: {  	s26 =	simm.s32 $0x20;
	v16 =	vadd.s32 s23, v6;
	vm1 =	vlt.s32 v0, v2;
	v3 =	vnsel vm0, $0x3FE, v3  }
0x21: {  	v17 =	vadd.s32 s26, v6;
	v0 =	vsel vm1, v0, v2;
	vm0 =	vlt.s32 v1, v3  }
0x22: {  	v22 =	vadd.s32 s31, v6;
	v1 =	vsel vm0, v1, v3;
	v3 =	vadd.s32 $0x2, v0  }
0x23: {  	v2 =	vimm.s32 $0x0;
	v5 =	vadd.s32 $0xFFFFF802, v0;
	v1 =	vadd.s32 v1, v3  }
0x24: {  	vm0 =	vge.s32 v9, v3;
	v11 =	vsub.s32 v9, v5;
	vm4 =	vge.s32 v8, v3  }
0x25: {  	v13 =	vsub.s32 v8, v5;
	vm6 =	vge.s32 v7, v3;
	v15 =	vsub.s32 v7, v5  }
0x26: {  	s25 =	simm.s32 $0x1;
	s28 =	simm.s32 $0x40;
	v10 =	vsel vm0, v11, v10;
	v11 =	vor.u32 s26, v4;
	v12 =	vsel vm6, v15, v12  }
0x27: {  	_ =	swait.ge [sflag:s25], $0x800;
	v13 =	vsel vm4, v13, v16;
	v15 =	vadd.s32 s28, v6;
	vm1 =	vgt.s32 v10, $0x0  }
0x28: {  	s30 =	simm.s32 $0x70;
	[sflag:s25] =	ssyncset.done $0x0;
	vm5 =	vge.s32 v11, v3;
	v14 =	vsub.s32 v11, v5;
	v10 =	vnsel vm1, $0x0, v10  }
0x29: {  	[sflag:s25] =	ssyncadd.s32 $0xFFFFF800;
	v16 =	vadd.s32 s30, v6;
	vm2 =	vgt.s32 v13, $0x0;
	v14 =	vsel vm5, v14, v17  }
0x2a: {  	s29 =	simm.s32 $0x50;
	_ =	swait.ge [sflag:s25], $0x800;
	vm1 =	vgt.s32 v12, $0x0;
	v13 =	vnsel vm2, $0x0, v13;
	vm2 =	vle.s32 v8, v1  }
0x2b: {  	[sflag:s25] =	ssyncset.done $0x0;
	v17 =	vor.u32 s29, v4;
	vm3 =	vgt.s32 v14, $0x0;
	v12 =	vnsel vm1, $0x0, v12  }
0x2c: {  	[sflag:s25] =	ssyncadd.s32 $0xFFFFF800;
	vm1 =	vle.s32 v11, v1;
	vm4 =	vmand vm4, vm2;
	v11 =	vor.u32 s28, v4  }
0x2d: {  	v14 =	vnsel vm3, $0x0, v14;
	vm3 =	vle.s32 v7, v1;
	vm7 =	vmand vm5, vm1;
	v10 =	vld.idx.msk [tilespmem:v10+s5+$0x0], $0xffff  }
0x2e: {  	v8 =	vsel vm4, $0x1, v2;
	vm4 =	vle.s32 v9, v1;
	v9 =	vor.u32 s30, v4  }
0x2f: {  	vm5 =	vge.s32 v19, v3;
	vm9 =	vge.s32 v11, v3;
	v20 =	vsub.s32 v11, v5  }
0x30: {  	vm6 =	vmand vm6, vm3;
	v15 =	vsel vm9, v20, v15;
	vm3 =	vmmov vm3  }
0x31: {  	v7 =	vsel vm6, $0x1, v2;
	vm6 =	vmand vm0, vm4;
	vm0 =	vge.s32 v9, v3  }
0x32: {  	v20 =	vld.idx.msk [tilespmem:v13+s5+$0x0], $0xffff;
	v13 =	vsub.s32 v19, v5;
	v18 =	vnsel vm4, $0x0, v10;
	v10 =	vsub.s32 v9, v5  }
0x33: {  	v23 =	vsel vm6, $0x1, v2;
	vm6 =	vle.s32 v17, v1;
	v10 =	vsel vm0, v10, v16  }
0x34: {  	v13 =	vsel vm5, v13, v22;
	vm4 =	vge.s32 v17, v3;
	vm8 =	vgt.s32 v10, $0x0  }
0x35: {  	v63 =	vld.idx.msk [tilespmem:v12+s5+$0x0], $0xffff;
	v16 =	vsub.s32 v17, v5;
	v21 =	vnsel vm8, $0x0, v10;
	v10 =	vadd.s32 s29, v6  }
0x36: {  	vm8 =	vmmov vm2;
	vm2 =	vgt.s32 v13, $0x0;
	v16 =	vsel vm4, v16, v10  }
0x37: {  	v14 =	vld.idx.msk [tilespmem:v14+s5+$0x0], $0xffff;
	v10 =	vsel vm7, $0x1, v2;
	vm7 =	vgt.s32 v15, $0x0;
	vm4 =	vmand vm4, vm6  }
0x38: {  	v20 =	vnsel vm8, $0x0, v20;
	v12 =	vnsel vm7, $0x0, v15;
	vm7 =	vgt.s32 v16, $0x0  }
0x39: {  	s7 =	simm.s32 $0x1120;
	v15 =	vnsel vm2, $0x0, v13;
	vm2 =	vle.s32 v19, v1;
	v16 =	vnsel vm7, $0x0, v16  }
0x3a: {  	s6 =	simm.s32 $0x1920;
	[tilespmem:s7+$0x10] =	vst v18;
	v13 =	vnsel vm3, $0x0, v63;
	vm7 =	vmmov vm1;
	vm1 =	vle.s32 v11, v1  }
0x3b: {  	s10 =	simm.s32 $0x4;
	[tilespmem:s6+$0x10] =	vst v23;
	v18 =	vsel vm4, $0x1, v2;
	vm5 =	vmand vm5, vm2;
	vm9 =	vmand vm9, vm1;
	v17 =	vld.idx.msk [tilespmem:v21+s5+$0x0], $0xffff  }
0x3c: {  	s11 =	simm.s32 $0x80;
	s8 =	simm.s32 $0x1120;
	s9 =	simm.s32 $0x1920;
	[tilespmem:s7+$0xFFFFFFF0] =	vst v20;
	v19 =	vnsel vm7, $0x0, v14;
	v14 =	vsel vm5, $0x1, v2;
	v11 =	vsel vm9, $0x1, v2  }
.LBB2_1:
0x3d: {  	v20 =	vor.u32 s11, v4;
	v21 =	vadd.s32 s11, v6  }
0x3e: {  	s12 =	sadd.s32 $0x10, s11;
	s13 =	sadd.s32 $0x20, s11;
	s14 =	sadd.s32 $0x30, s11;
	v22 =	vld.idx.msk [tilespmem:v16+s5+$0x0], $0xffff;
	[tilespmem:s6+$0xFFFFFFF0] =	vst v8;
	v8 =	vmovc v18;
	vm3 =	vmmov vm1;
	vm4 =	vmmov vm6;
	vm5 =	vmmov vm2  }
0x3f: {  	vm1 =	vle.s32 v9, v1;
	v18 =	vor.u32 s12, v4;
	v16 =	vadd.s32 s14, v6;
	v23 =	vld.idx.msk [tilespmem:v15+s5+$0x0], $0xffff;
	[tilespmem:s7+$0x0] =	vst v19  }
0x40: {  	s10 =	sadd.s32 $0x4, s10;
	v9 =	vor.u32 s14, v4;
	s7 =	sadd.s32 $0x40, s7;
	v19 =	vld.idx.msk [tilespmem:v12+s5+$0x0], $0xffff;
	v12 =	vnsel vm1, $0x0, v17;
	vm1 =	vmand vm0, vm1;
	[tilespmem:s6+$0x0] =	vst v10;
	v10 =	vmovc v14  }
0x41: {  	p0 =	slt.u32 s10, $0x7C;
	vm0 =	vge.s32 v9, v3;
	v14 =	vsub.s32 v9, v5;
	s6 =	sadd.s32 $0x40, s6;
	v15 =	vsel vm1, $0x1, v2;
	[tilespmem:s7+$0x10] =	vst v12  }
0x42: {  	vm7 =	vge.s32 v18, v3;
	v17 =	vor.u32 s13, v4;
	v12 =	vsel vm0, v14, v16;
	[tilespmem:s6+$0x10] =	vst v15  }
0x43: {  	v14 =	vsub.s32 v18, v5;
	vm8 =	vge.s32 v17, v3;
	vm1 =	vgt.s32 v12, $0x0;
	[tilespmem:s8+$0xFFFFFFE0] =	vst v13;
	s8 =	smov.u32 s7  }
0x44: {  	vm9 =	vge.s32 v20, v3;
	v13 =	vsub.s32 v17, v5;
	v24 =	vnsel vm1, $0x0, v12;
	[tilespmem:s9+$0xFFFFFFE0] =	vst v7;
	v7 =	vmovc v11;
	s9 =	smov.u32 s6  }
0x45: {  	v15 =	vadd.s32 s13, v6;
	v12 =	vadd.s32 s12, v6;
	v11 =	vsub.s32 v20, v5  }
0x46: {  	v14 =	vsel vm7, v14, v12;
	v13 =	vsel vm8, v13, v15;
	v11 =	vsel vm9, v11, v21  }
0x47: {  	vm2 =	vgt.s32 v14, $0x0;
	vm6 =	vgt.s32 v13, $0x0;
	vm1 =	vgt.s32 v11, $0x0  }
.Ltmp0:
0x48: {  	v16 =	vnsel vm2, $0x0, v14;
	v15 =	vnsel vm6, $0x0, v13;
	v12 =	vnsel vm1, $0x0, v11;
	(pc) =	sbr.rel @p0 .LBB2_1-.Ltmp0, $4  }
0x49: {  	vm6 =	vle.s32 v18, v1;
	vm2 =	vle.s32 v17, v1;
	vm1 =	vle.s32 v20, v1;
	v17 =	vld.idx.msk [tilespmem:v24+s5+$0x0], $0xffff  }
0x4a: {  	vm7 =	vmand vm7, vm6;
	vm8 =	vmand vm8, vm2;
	vm9 =	vmand vm9, vm1  }
0x4b: {  	v13 =	vnsel vm3, $0x0, v19;
	v19 =	vnsel vm5, $0x0, v23;
	v20 =	vnsel vm4, $0x0, v22  }
0x4c: {  	s11 =	sadd.s32 $0x40, s11;
	v18 =	vsel vm7, $0x1, v2;
	v14 =	vsel vm8, $0x1, v2;
	v11 =	vsel vm9, $0x1, v2;
	[tilespmem:s7+$0xFFFFFFF0] =	vst v20  }
0x4d: {  	_ =	sdelay $0x2  }
0x4e: {  	[tilespmem:s6+$0xFFFFFFF0] =	vst v8  }
0x4f: {  	v3 =	vld.idx.msk [tilespmem:v16+s5+$0x0], $0xffff;
	[tilespmem:s7+$0x0] =	vst v19  }
0x50: {  	vm3 =	vle.s32 v9, v1;
	v5 =	vld.idx.msk [tilespmem:v15+s5+$0x0], $0xffff;
	v0 =	vadd.s32 $0x1, v0;
	[tilespmem:s8+$0xFFFFFFE0] =	vst v13  }
0x51: {  	vm11 =	vcmask $0x3F08;
	v59 =	vlaneseq.u32;
	v60 =	vld.idx.msk [tilespmem:v12+s5+$0x0], $0xffff;
	vm0 =	vmand vm0, vm3;
	[tilespmem:s6+$0x0] =	vst v10  }
0x52: {  	s24 =	sadd.s32 $0x40, s7;
	v4 =	vnsel vm3, $0x0, v17;
	v0 =	vsel vm11, v1, v0;
	vm12 =	veq.s32 v59, $0x0;
	[tilespmem:s9+$0xFFFFFFE0] =	vst v7  }
0x53: {  	s25 =	sadd.s32 $0x40, s6;
	vm13 =	vmmov vm6;
	v2 =	vsel vm0, $0x1, v2;
	[tilespmem:s24+$0x10] =	vst v4;
	v0 =	vsel vm12, $0x0, v0  }
0x54: {  	vm2 =	vmmov vm2;
	[tilespmem:s25+$0x10] =	vst v2;
	vm0 =	vgt.s32 v0, $0x0;
	v61 =	vnsel vm13, $0x0, v3  }
0x55: {  	vm14 =	vmmov vm1;
	v0 =	vnsel vm0, $0x0, v0;
	v62 =	vnsel vm2, $0x0, v5;
	[tilespmem:s24+$0xFFFFFFF0] =	vst v61  }
0x56: {  	v0 =	vmin.u32 v0, $0x7FF;
	v1 =	vnsel vm14, $0x0, v60;
	[tilespmem:s24+$0x0] =	vst v62  }
0x57: {  	[tilespmem:s24+$0xFFFFFFE0] =	vst v1  }
0x58: {  	[tilespmem:s25+$0xFFFFFFF0] =	vst v18  }
0x59: {  	v63 =	vimm.s32 $0x66;
	vm15 =	vcmask $0x300;
	[tilespmem:s25+$0x0] =	vst v14  }
0x5a: {  	s26 =	simm.s32 $0x1100;
	v1 =	vsel vm15, $0x65, v63;
	[tilespmem:s25+$0xFFFFFFE0] =	vst v11  }
0x5b: {  	s3 =	sadd.s32 s3, s4;
	s28 =	simm.s32 $0x80;
	s29 =	simm.s32 $0x400;
	[tilespmem:v0+s26+$0x0] =	vst.idx.msk $0x7, v1  }
0x5c: {  	[hbm4b:s3+s28] =	stream.strided.scatter [tilespmem:s26], [sflag:$0x3], $0x800, s29, s28, $0x38;
	[tilespmem:$0x2100] =	vst v63  }
0x5d: {  	s2 =	sadd.s32 s2, s4;
	s30 =	simm.s32 $0x1900;
	s31 =	simm.s32 $0x3  }
0x5e: {  	[hbm4b:s2+s28] =	stream.strided.scatter [tilespmem:s30], [sflag:$0x3], $0x800, s29, s28, $0x38;
	[tilespmem:$0x2100] =	vst v63  }
0x5f: {  	_ =	swait.ge [sflag:s31], $0x800  }
0x60: {  	[sflag:s31] =	ssyncset.done $0x0  }
0x61: {  	[sflag:s31] =	ssyncadd.s32 $0xFFFFF800  }
0x62: {  	_ =	swait.ge [sflag:s31], $0x800  }
0x63: {  	[sflag:s31] =	ssyncset.done $0x0  }
0x64: {  	[sflag:s31] =	ssyncadd.s32 $0xFFFFF800  }
0x65: {  	_ =	sfence.sel $0x180000  }
0x66: {  	[bflag:$0x0] =	sbarrier.arrive $0xFFFF  }
0x67: {  	p0 =	sne.s32 s1, $0x0;
	_ =	strace $0x90000047  }
0x68: {  	s0 =	sadd.s32 @!p0 $0x100000, s0;
	[bflag:$0x2] =	sbarrier.arrive $0xFFFF  }
0x69: {  	[sflag:s0] =	ssyncadd.tile.s32 @!p0 $0x1;
	_ =	shalt  }
.Lfunc_end2:
_tile_overlayer_lowered:
.L_overlay_start_2:
0x6a: {  	(tag) =	ssettag $0x2  }
0x6b: {  	s0 =	rddreg [dreg:$0x0];
	s2 =	stileid.u32  }
0x6c: {  	s1 =	rddreg [dreg:$0x1];
	p0 =	sne.s32 s2, $0x0  }
0x6d: {  	s3 =	rddreg [dreg:$0x2];
	[bflag:$0x3] =	sbarrier.arrive $0xFFFF;
	s2 =	simm.s32 @!p0 $0x1C04  }
0x6e: {  	[timem:s3], [sflag:s2] =	dma.local @!p0 [hbm:s0], s1  }
0x6f: {  	s0 =	simm.s32 @!p0 $0x4  }
0x70: {  	_ =	swait.ge @!p0 [sflag:s0], s1  }
0x71: {  	s1 =	ssub.s32 @!p0 $0x0, s1;
	[sflag:s0] =	ssyncset.done @!p0 $0x0  }
0x72: {  	[sflag:s0] =	ssyncadd.s32 @!p0 s1  }
0x73: {  	[bflag:$0x3] =	sbarrier.arrive $0xFFFF  }
0x74: {  	_ =	shalt  }

</sc_bundles>
